<compile_context>
chip_gen: v7x
topology: tpu7x:2x2x1
jax: 0.10.2.dev20260603
libtpu: 0.0.44.dev20260713+nightly
codegen_flags: <defaults>
</compile_context>

<pallas_src>
import functools

import jax
import jax.numpy as jnp
import numpy as np
from jax import lax
from jax.experimental import pallas as pl
from jax.experimental.pallas import tpu as pltpu
from jax.experimental.pallas import tpu_sc as plsc

_INDEX_NP = np.array(
    [0, 7777, 15554, 23331, 31108, 38885, 46662, 54439, 62216, 69993,
     77770, 85547, 93324, 101101, 108878, 116655, 124432, 132209, 139986,
     147763, 155540, 163317, 171094, 178871, 186648, 194425, 202202,
     209979, 217756, 225533, 233310, 241087, 248864, 256641, 264418,
     272195, 279972, 287749, 295526, 303303, 311080, 318857, 326634,
     334411, 342188, 349965, 357742, 365519, 373296, 381073, 388850,
     396627, 404404, 412181, 419958, 427735, 435512, 443289, 451066,
     458843, 466620, 474397, 482174, 489951], dtype=np.int32)
_STRIDE = 7777
assert (_INDEX_NP == _STRIDE * np.arange(64, dtype=np.int64)).all()

_B = 64
_D = 64
_LANES = 128
_CPW = 4
_L = 16

_mesh = plsc.VectorSubcoreMesh(core_axis_name="c", subcore_axis_name="s", num_cores=1)


@functools.partial(
    pl.kernel,
    mesh=_mesh,
    out_type=jax.ShapeDtypeStruct((_B, _D), jnp.float32),
    scratch_types=[
        pltpu.VMEM((_CPW, _D, _LANES), jnp.float32),
        pltpu.VMEM((_CPW, _D), jnp.float32),
        pltpu.SemaphoreType.DMA,
    ],
    compiler_params=pltpu.CompilerParams(needs_layout_passes=False),
)
def _gather_rows(table_t_hbm, out_hbm, blk_v, out_v, sem):
    sid = lax.axis_index("s")

    cols = [_STRIDE * (sid * _CPW + j) for j in range(_CPW)]
    copies = [
        pltpu.async_copy(
            table_t_hbm.at[
                :, pl.ds(pl.multiple_of(cols[j] & ~(_LANES - 1), _LANES), _LANES)
            ],
            blk_v.at[j],
            sem,
        )
        for j in range(_CPW)
    ]
    for c in copies:
        c.wait()

    seq = lax.iota(jnp.int32, _L)
    zeros = jnp.zeros((_L,), jnp.int32)
    for j in range(_CPW):
        lane = zeros + (cols[j] & (_LANES - 1))
        blk = zeros + j
        for q in range(_D // _L):
            vals = plsc.load_gather(blk_v, [blk, seq + q * _L, lane])
            out_v[j, pl.ds(q * _L, _L)] = vals
    pltpu.sync_copy(out_v, out_hbm.at[pl.ds(sid * _CPW, _CPW)])


def kernel(x):
    return _gather_rows(x.T)

# --- scband reference (transcript-rebuilt; emitter-appended) ---
"""Pipeline reference for scband-select-layer-2370821947898 (READ-ONLY COPY).

The authoritative reference and input builder live on the scoring server;
editing this copy changes nothing except your own understanding.
"""

import jax, jax.numpy as jnp
import numpy as np

INDEX = jnp.array([0, 7777, 15554, 23331, 31108, 38885, 46662, 54439, 62216, 69993, 77770, 85547, 93324, 101101, 108878, 116655, 124432, 132209, 139986, 147763, 155540, 163317, 171094, 178871, 186648, 194425, 202202, 209979, 217756, 225533, 233310, 241087, 248864, 256641, 264418, 272195, 279972, 287749, 295526, 303303, 311080, 318857, 326634, 334411, 342188, 349965, 357742, 365519, 373296, 381073, 388850, 396627, 404404, 412181, 419958, 427735, 435512, 443289, 451066, 458843, 466620, 474397, 482174, 489951], dtype=jnp.int32)
DIM = 0


def setup_inputs(seed: int = 0) -> dict:
    key = jax.random.key(seed)
    x = jax.random.normal(key, (1000000, 64), dtype=jnp.float32)
    return {"x": x}


def reference(x):
    # torch.index_select(x, dim, index) == jnp.take(x, index, axis=dim)
    return jnp.take(x, INDEX, axis=DIM)

if __name__ == "__main__":
    import jax
    _d = setup_inputs()
    print(jax.jit(kernel)(*tuple(_d.values())))

</pallas_src>

<mosaic_0001>
#map = affine_map<(d0, d1) -> (0, 0)>
module attributes {stable_mosaic.version = 14 : i64} {
  func.func @_gather_rows(%arg0: i32, %arg1: i32, %arg2: memref<64x1000000xf32, #tpu.memory_space<hbm>>, %arg3: memref<64x64xf32, #tpu.memory_space<hbm>>, %arg4: memref<4x64x128xf32, #tpu.memory_space<vmem>>, %arg5: memref<4x64xf32, #tpu.memory_space<vmem>>, %arg6: memref<!tpu.dma_semaphore, #tpu.memory_space<semaphore_mem>>) attributes {dimension_semantics = [#tpu.dimension_semantics<core_parallel>, #tpu.dimension_semantics<subcore_parallel>], iteration_bounds = array<i64: 1, 16>, scalar_prefetch = 0 : i64, scratch_operands = 3 : i64, tpu.core_type = #tpu.core_type<sc_vector_subcore>, window_params = [{transform_indices = #map}, {transform_indices = #map}]} {
    %mul3A = arith.constant 4 : i32
    %mul3A_0 = arith.muli %arg1, %mul3A : i32
    %add3A = arith.constant 0 : i32
    %add3A_1 = arith.addi %mul3A_0, %add3A : i32
    %mul3A_2 = arith.constant 7777 : i32
    %mul3A_3 = arith.muli %mul3A_2, %add3A_1 : i32
    %mul3A_4 = arith.constant 4 : i32
    %mul3A_5 = arith.muli %arg1, %mul3A_4 : i32
    %add3A_6 = arith.constant 1 : i32
    %add3A_7 = arith.addi %mul3A_5, %add3A_6 : i32
    %mul3A_8 = arith.constant 7777 : i32
    %mul3A_9 = arith.muli %mul3A_8, %add3A_7 : i32
    %mul3A_10 = arith.constant 4 : i32
    %mul3A_11 = arith.muli %arg1, %mul3A_10 : i32
    %add3A_12 = arith.constant 2 : i32
    %add3A_13 = arith.addi %mul3A_11, %add3A_12 : i32
    %mul3A_14 = arith.constant 7777 : i32
    %mul3A_15 = arith.muli %mul3A_14, %add3A_13 : i32
    %mul3A_16 = arith.constant 4 : i32
    %mul3A_17 = arith.muli %arg1, %mul3A_16 : i32
    %add3A_18 = arith.constant 3 : i32
    %add3A_19 = arith.addi %mul3A_17, %add3A_18 : i32
    %mul3A_20 = arith.constant 7777 : i32
    %mul3A_21 = arith.muli %mul3A_20, %add3A_19 : i32
    %and3A = arith.constant -128 : i32
    %and3A_22 = arith.andi %mul3A_3, %and3A : i32
    %multiple_of3A = tpu.assume_multiple %and3A_22, 128 : i32
    %dma_start3A = arith.constant 0 : i32
    %dma_start3A_23 = arith.constant 0 : i32
    %dma_start3A_24 = arith.constant 0 : i32
    %dma_start3A_25 = tpu.memref_slice %arg4[%dma_start3A, %dma_start3A_23, %dma_start3A_24] : memref<4x64x128xf32, #tpu.memory_space<vmem>> -> memref<1x64x128xf32, #tpu.memory_space<vmem>>
    %dma_start3A_26 = tpu.memref_squeeze %dma_start3A_25 : memref<1x64x128xf32, #tpu.memory_space<vmem>> -> memref<64x128xf32, #tpu.memory_space<vmem>>
    %dma_start3A_27 = arith.constant 0 : i32
    %dma_start3A_28 = tpu.memref_slice %arg2[%dma_start3A_27, %multiple_of3A] : memref<64x1000000xf32, #tpu.memory_space<hbm>> -> memref<64x128xf32, #tpu.memory_space<hbm>>
    %dma_start3A_29 = arith.constant 0 : i32
    %dma_start3A_30 = arith.constant 0 : i32
    %dma_start3A_31 = tpu.memref_slice %arg4[%dma_start3A, %dma_start3A_29, %dma_start3A_30] : memref<4x64x128xf32, #tpu.memory_space<vmem>> -> memref<1x64x128xf32, #tpu.memory_space<vmem>>
    %dma_start3A_32 = tpu.memref_squeeze %dma_start3A_31 : memref<1x64x128xf32, #tpu.memory_space<vmem>> -> memref<64x128xf32, #tpu.memory_space<vmem>>
    %dma_start3A_33 = arith.constant 0 : i32
    %dma_start3A_34 = tpu.memref_slice %arg2[%dma_start3A_33, %multiple_of3A] : memref<64x1000000xf32, #tpu.memory_space<hbm>> -> memref<64x128xf32, #tpu.memory_space<hbm>>
    tpu.enqueue_dma source(%dma_start3A_34 : memref<64x128xf32, #tpu.memory_space<hbm>>) target(%dma_start3A_32 : memref<64x128xf32, #tpu.memory_space<vmem>>) target_semaphore(%arg6 : memref<!tpu.dma_semaphore, #tpu.memory_space<semaphore_mem>>)
    %and3A_35 = arith.constant -128 : i32
    %and3A_36 = arith.andi %mul3A_9, %and3A_35 : i32
    %multiple_of3A_37 = tpu.assume_multiple %and3A_36, 128 : i32
    %dma_start3A_38 = arith.constant 1 : i32
    %dma_start3A_39 = arith.constant 0 : i32
    %dma_start3A_40 = arith.constant 0 : i32
    %dma_start3A_41 = tpu.memref_slice %arg4[%dma_start3A_38, %dma_start3A_39, %dma_start3A_40] : memref<4x64x128xf32, #tpu.memory_space<vmem>> -> memref<1x64x128xf32, #tpu.memory_space<vmem>>
    %dma_start3A_42 = tpu.memref_squeeze %dma_start3A_41 : memref<1x64x128xf32, #tpu.memory_space<vmem>> -> memref<64x128xf32, #tpu.memory_space<vmem>>
    %dma_start3A_43 = arith.constant 0 : i32
    %dma_start3A_44 = tpu.memref_slice %arg2[%dma_start3A_43, %multiple_of3A_37] : memref<64x1000000xf32, #tpu.memory_space<hbm>> -> memref<64x128xf32, #tpu.memory_space<hbm>>
    %dma_start3A_45 = arith.constant 0 : i32
    %dma_start3A_46 = arith.constant 0 : i32
    %dma_start3A_47 = tpu.memref_slice %arg4[%dma_start3A_38, %dma_start3A_45, %dma_start3A_46] : memref<4x64x128xf32, #tpu.memory_space<vmem>> -> memref<1x64x128xf32, #tpu.memory_space<vmem>>
    %dma_start3A_48 = tpu.memref_squeeze %dma_start3A_47 : memref<1x64x128xf32, #tpu.memory_space<vmem>> -> memref<64x128xf32, #tpu.memory_space<vmem>>
    %dma_start3A_49 = arith.constant 0 : i32
    %dma_start3A_50 = tpu.memref_slice %arg2[%dma_start3A_49, %multiple_of3A_37] : memref<64x1000000xf32, #tpu.memory_space<hbm>> -> memref<64x128xf32, #tpu.memory_space<hbm>>
    tpu.enqueue_dma source(%dma_start3A_50 : memref<64x128xf32, #tpu.memory_space<hbm>>) target(%dma_start3A_48 : memref<64x128xf32, #tpu.memory_space<vmem>>) target_semaphore(%arg6 : memref<!tpu.dma_semaphore, #tpu.memory_space<semaphore_mem>>)
    %and3A_51 = arith.constant -128 : i32
    %and3A_52 = arith.andi %mul3A_15, %and3A_51 : i32
    %multiple_of3A_53 = tpu.assume_multiple %and3A_52, 128 : i32
    %dma_start3A_54 = arith.constant 2 : i32
    %dma_start3A_55 = arith.constant 0 : i32
    %dma_start3A_56 = arith.constant 0 : i32
    %dma_start3A_57 = tpu.memref_slice %arg4[%dma_start3A_54, %dma_start3A_55, %dma_start3A_56] : memref<4x64x128xf32, #tpu.memory_space<vmem>> -> memref<1x64x128xf32, #tpu.memory_space<vmem>>
    %dma_start3A_58 = tpu.memref_squeeze %dma_start3A_57 : memref<1x64x128xf32, #tpu.memory_space<vmem>> -> memref<64x128xf32, #tpu.memory_space<vmem>>
    %dma_start3A_59 = arith.constant 0 : i32
    %dma_start3A_60 = tpu.memref_slice %arg2[%dma_start3A_59, %multiple_of3A_53] : memref<64x1000000xf32, #tpu.memory_space<hbm>> -> memref<64x128xf32, #tpu.memory_space<hbm>>
    %dma_start3A_61 = arith.constant 0 : i32
    %dma_start3A_62 = arith.constant 0 : i32
    %dma_start3A_63 = tpu.memref_slice %arg4[%dma_start3A_54, %dma_start3A_61, %dma_start3A_62] : memref<4x64x128xf32, #tpu.memory_space<vmem>> -> memref<1x64x128xf32, #tpu.memory_space<vmem>>
    %dma_start3A_64 = tpu.memref_squeeze %dma_start3A_63 : memref<1x64x128xf32, #tpu.memory_space<vmem>> -> memref<64x128xf32, #tpu.memory_space<vmem>>
    %dma_start3A_65 = arith.constant 0 : i32
    %dma_start3A_66 = tpu.memref_slice %arg2[%dma_start3A_65, %multiple_of3A_53] : memref<64x1000000xf32, #tpu.memory_space<hbm>> -> memref<64x128xf32, #tpu.memory_space<hbm>>
    tpu.enqueue_dma source(%dma_start3A_66 : memref<64x128xf32, #tpu.memory_space<hbm>>) target(%dma_start3A_64 : memref<64x128xf32, #tpu.memory_space<vmem>>) target_semaphore(%arg6 : memref<!tpu.dma_semaphore, #tpu.memory_space<semaphore_mem>>)
    %and3A_67 = arith.constant -128 : i32
    %and3A_68 = arith.andi %mul3A_21, %and3A_67 : i32
    %multiple_of3A_69 = tpu.assume_multiple %and3A_68, 128 : i32
    %dma_start3A_70 = arith.constant 3 : i32
    %dma_start3A_71 = arith.constant 0 : i32
    %dma_start3A_72 = arith.constant 0 : i32
    %dma_start3A_73 = tpu.memref_slice %arg4[%dma_start3A_70, %dma_start3A_71, %dma_start3A_72] : memref<4x64x128xf32, #tpu.memory_space<vmem>> -> memref<1x64x128xf32, #tpu.memory_space<vmem>>
    %dma_start3A_74 = tpu.memref_squeeze %dma_start3A_73 : memref<1x64x128xf32, #tpu.memory_space<vmem>> -> memref<64x128xf32, #tpu.memory_space<vmem>>
    %dma_start3A_75 = arith.constant 0 : i32
    %dma_start3A_76 = tpu.memref_slice %arg2[%dma_start3A_75, %multiple_of3A_69] : memref<64x1000000xf32, #tpu.memory_space<hbm>> -> memref<64x128xf32, #tpu.memory_space<hbm>>
    %dma_start3A_77 = arith.constant 0 : i32
    %dma_start3A_78 = arith.constant 0 : i32
    %dma_start3A_79 = tpu.memref_slice %arg4[%dma_start3A_70, %dma_start3A_77, %dma_start3A_78] : memref<4x64x128xf32, #tpu.memory_space<vmem>> -> memref<1x64x128xf32, #tpu.memory_space<vmem>>
    %dma_start3A_80 = tpu.memref_squeeze %dma_start3A_79 : memref<1x64x128xf32, #tpu.memory_space<vmem>> -> memref<64x128xf32, #tpu.memory_space<vmem>>
    %dma_start3A_81 = arith.constant 0 : i32
    %dma_start3A_82 = tpu.memref_slice %arg2[%dma_start3A_81, %multiple_of3A_69] : memref<64x1000000xf32, #tpu.memory_space<hbm>> -> memref<64x128xf32, #tpu.memory_space<hbm>>
    tpu.enqueue_dma source(%dma_start3A_82 : memref<64x128xf32, #tpu.memory_space<hbm>>) target(%dma_start3A_80 : memref<64x128xf32, #tpu.memory_space<vmem>>) target_semaphore(%arg6 : memref<!tpu.dma_semaphore, #tpu.memory_space<semaphore_mem>>)
    %dma_wait3A = arith.constant 0 : i32
    %dma_wait3A_83 = arith.constant 0 : i32
    %dma_wait3A_84 = arith.constant 0 : i32
    %dma_wait3A_85 = tpu.memref_slice %arg4[%dma_wait3A, %dma_wait3A_83, %dma_wait3A_84] : memref<4x64x128xf32, #tpu.memory_space<vmem>> -> memref<1x64x128xf32, #tpu.memory_space<vmem>>
    %dma_wait3A_86 = tpu.memref_squeeze %dma_wait3A_85 : memref<1x64x128xf32, #tpu.memory_space<vmem>> -> memref<64x128xf32, #tpu.memory_space<vmem>>
    %dma_wait3A_87 = arith.constant 0 : i32
    %dma_wait3A_88 = tpu.memref_slice %arg2[%dma_wait3A_87, %multiple_of3A] : memref<64x1000000xf32, #tpu.memory_space<hbm>> -> memref<64x128xf32, #tpu.memory_space<hbm>>
    %dma_wait3A_89 = arith.constant 0 : i32
    %dma_wait3A_90 = arith.constant 0 : i32
    %dma_wait3A_91 = tpu.memref_slice %arg4[%dma_wait3A, %dma_wait3A_89, %dma_wait3A_90] : memref<4x64x128xf32, #tpu.memory_space<vmem>> -> memref<1x64x128xf32, #tpu.memory_space<vmem>>
    %dma_wait3A_92 = tpu.memref_squeeze %dma_wait3A_91 : memref<1x64x128xf32, #tpu.memory_space<vmem>> -> memref<64x128xf32, #tpu.memory_space<vmem>>
    %dma_wait3A_93 = arith.constant 0 : i32
    %dma_wait3A_94 = tpu.memref_slice %arg2[%dma_wait3A_93, %multiple_of3A] : memref<64x1000000xf32, #tpu.memory_space<hbm>> -> memref<64x128xf32, #tpu.memory_space<hbm>>
    tpu.wait_dma2 semaphore(%arg6 : memref<!tpu.dma_semaphore, #tpu.memory_space<semaphore_mem>>) src(%dma_wait3A_94 : memref<64x128xf32, #tpu.memory_space<hbm>>) dst(%dma_wait3A_92 : memref<64x128xf32, #tpu.memory_space<vmem>>)
    %dma_wait3A_95 = arith.constant 1 : i32
    %dma_wait3A_96 = arith.constant 0 : i32
    %dma_wait3A_97 = arith.constant 0 : i32
    %dma_wait3A_98 = tpu.memref_slice %arg4[%dma_wait3A_95, %dma_wait3A_96, %dma_wait3A_97] : memref<4x64x128xf32, #tpu.memory_space<vmem>> -> memref<1x64x128xf32, #tpu.memory_space<vmem>>
    %dma_wait3A_99 = tpu.memref_squeeze %dma_wait3A_98 : memref<1x64x128xf32, #tpu.memory_space<vmem>> -> memref<64x128xf32, #tpu.memory_space<vmem>>
    %dma_wait3A_100 = arith.constant 0 : i32
    %dma_wait3A_101 = tpu.memref_slice %arg2[%dma_wait3A_100, %multiple_of3A_37] : memref<64x1000000xf32, #tpu.memory_space<hbm>> -> memref<64x128xf32, #tpu.memory_space<hbm>>
    %dma_wait3A_102 = arith.constant 0 : i32
    %dma_wait3A_103 = arith.constant 0 : i32
    %dma_wait3A_104 = tpu.memref_slice %arg4[%dma_wait3A_95, %dma_wait3A_102, %dma_wait3A_103] : memref<4x64x128xf32, #tpu.memory_space<vmem>> -> memref<1x64x128xf32, #tpu.memory_space<vmem>>
    %dma_wait3A_105 = tpu.memref_squeeze %dma_wait3A_104 : memref<1x64x128xf32, #tpu.memory_space<vmem>> -> memref<64x128xf32, #tpu.memory_space<vmem>>
    %dma_wait3A_106 = arith.constant 0 : i32
    %dma_wait3A_107 = tpu.memref_slice %arg2[%dma_wait3A_106, %multiple_of3A_37] : memref<64x1000000xf32, #tpu.memory_space<hbm>> -> memref<64x128xf32, #tpu.memory_space<hbm>>
    tpu.wait_dma2 semaphore(%arg6 : memref<!tpu.dma_semaphore, #tpu.memory_space<semaphore_mem>>) src(%dma_wait3A_107 : memref<64x128xf32, #tpu.memory_space<hbm>>) dst(%dma_wait3A_105 : memref<64x128xf32, #tpu.memory_space<vmem>>)
    %dma_wait3A_108 = arith.constant 2 : i32
    %dma_wait3A_109 = arith.constant 0 : i32
    %dma_wait3A_110 = arith.constant 0 : i32
    %dma_wait3A_111 = tpu.memref_slice %arg4[%dma_wait3A_108, %dma_wait3A_109, %dma_wait3A_110] : memref<4x64x128xf32, #tpu.memory_space<vmem>> -> memref<1x64x128xf32, #tpu.memory_space<vmem>>
    %dma_wait3A_112 = tpu.memref_squeeze %dma_wait3A_111 : memref<1x64x128xf32, #tpu.memory_space<vmem>> -> memref<64x128xf32, #tpu.memory_space<vmem>>
    %dma_wait3A_113 = arith.constant 0 : i32
    %dma_wait3A_114 = tpu.memref_slice %arg2[%dma_wait3A_113, %multiple_of3A_53] : memref<64x1000000xf32, #tpu.memory_space<hbm>> -> memref<64x128xf32, #tpu.memory_space<hbm>>
    %dma_wait3A_115 = arith.constant 0 : i32
    %dma_wait3A_116 = arith.constant 0 : i32
    %dma_wait3A_117 = tpu.memref_slice %arg4[%dma_wait3A_108, %dma_wait3A_115, %dma_wait3A_116] : memref<4x64x128xf32, #tpu.memory_space<vmem>> -> memref<1x64x128xf32, #tpu.memory_space<vmem>>
    %dma_wait3A_118 = tpu.memref_squeeze %dma_wait3A_117 : memref<1x64x128xf32, #tpu.memory_space<vmem>> -> memref<64x128xf32, #tpu.memory_space<vmem>>
    %dma_wait3A_119 = arith.constant 0 : i32
    %dma_wait3A_120 = tpu.memref_slice %arg2[%dma_wait3A_119, %multiple_of3A_53] : memref<64x1000000xf32, #tpu.memory_space<hbm>> -> memref<64x128xf32, #tpu.memory_space<hbm>>
    tpu.wait_dma2 semaphore(%arg6 : memref<!tpu.dma_semaphore, #tpu.memory_space<semaphore_mem>>) src(%dma_wait3A_120 : memref<64x128xf32, #tpu.memory_space<hbm>>) dst(%dma_wait3A_118 : memref<64x128xf32, #tpu.memory_space<vmem>>)
    %dma_wait3A_121 = arith.constant 3 : i32
    %dma_wait3A_122 = arith.constant 0 : i32
    %dma_wait3A_123 = arith.constant 0 : i32
    %dma_wait3A_124 = tpu.memref_slice %arg4[%dma_wait3A_121, %dma_wait3A_122, %dma_wait3A_123] : memref<4x64x128xf32, #tpu.memory_space<vmem>> -> memref<1x64x128xf32, #tpu.memory_space<vmem>>
    %dma_wait3A_125 = tpu.memref_squeeze %dma_wait3A_124 : memref<1x64x128xf32, #tpu.memory_space<vmem>> -> memref<64x128xf32, #tpu.memory_space<vmem>>
    %dma_wait3A_126 = arith.constant 0 : i32
    %dma_wait3A_127 = tpu.memref_slice %arg2[%dma_wait3A_126, %multiple_of3A_69] : memref<64x1000000xf32, #tpu.memory_space<hbm>> -> memref<64x128xf32, #tpu.memory_space<hbm>>
    %dma_wait3A_128 = arith.constant 0 : i32
    %dma_wait3A_129 = arith.constant 0 : i32
    %dma_wait3A_130 = tpu.memref_slice %arg4[%dma_wait3A_121, %dma_wait3A_128, %dma_wait3A_129] : memref<4x64x128xf32, #tpu.memory_space<vmem>> -> memref<1x64x128xf32, #tpu.memory_space<vmem>>
    %dma_wait3A_131 = tpu.memref_squeeze %dma_wait3A_130 : memref<1x64x128xf32, #tpu.memory_space<vmem>> -> memref<64x128xf32, #tpu.memory_space<vmem>>
    %dma_wait3A_132 = arith.constant 0 : i32
    %dma_wait3A_133 = tpu.memref_slice %arg2[%dma_wait3A_132, %multiple_of3A_69] : memref<64x1000000xf32, #tpu.memory_space<hbm>> -> memref<64x128xf32, #tpu.memory_space<hbm>>
    tpu.wait_dma2 semaphore(%arg6 : memref<!tpu.dma_semaphore, #tpu.memory_space<semaphore_mem>>) src(%dma_wait3A_133 : memref<64x128xf32, #tpu.memory_space<hbm>>) dst(%dma_wait3A_131 : memref<64x128xf32, #tpu.memory_space<vmem>>)
    %iota3A = tpu.iota {dimensions = array<i32: 0>} : vector<16xi32>
    %broadcast_in_dim3A = arith.constant 0 : i32
    %broadcast_in_dim3A_134 = vector.broadcast %broadcast_in_dim3A : i32 to vector<16xi32>
    %and3A_135 = arith.constant 127 : i32
    %and3A_136 = arith.andi %mul3A_3, %and3A_135 : i32
    %add3A_137 = vector.broadcast %and3A_136 : i32 to vector<16xi32>
    %add3A_138 = arith.addi %broadcast_in_dim3A_134, %add3A_137 : vector<16xi32>
    %add3A_139 = arith.constant 0 : i32
    %add3A_140 = vector.broadcast %add3A_139 : i32 to vector<16xi32>
    %add3A_141 = arith.addi %broadcast_in_dim3A_134, %add3A_140 : vector<16xi32>
    %add3A_142 = arith.constant 0 : i32
    %add3A_143 = vector.broadcast %add3A_142 : i32 to vector<16xi32>
    %add3A_144 = arith.addi %iota3A, %add3A_143 : vector<16xi32>
    %gather3A = tpu.vector_load_idx %arg4[%add3A_141, %add3A_144, %add3A_138] : memref<4x64x128xf32, #tpu.memory_space<vmem>>[vector<16xi32>, vector<16xi32>, vector<16xi32>], vector<16xf32>,
    %swap3A = arith.constant 0 : i32
    %swap3A_145 = arith.index_cast %swap3A : i32 to index
    %swap3A_146 = arith.constant 0 : index
    %swap3A_147 = tpu.vector_load %arg5[%swap3A_145, %swap3A_146] {strides = array<i32>} : memref<4x64xf32, #tpu.memory_space<vmem>>, vector<16xf32>,
    tpu.vector_store %arg5[%swap3A_145, %swap3A_146], %gather3A {strides = array<i32>} : memref<4x64xf32, #tpu.memory_space<vmem>>, vector<16xf32>,
    %add3A_148 = arith.constant 16 : i32
    %add3A_149 = vector.broadcast %add3A_148 : i32 to vector<16xi32>
    %add3A_150 = arith.addi %iota3A, %add3A_149 : vector<16xi32>
    %gather3A_151 = tpu.vector_load_idx %arg4[%add3A_141, %add3A_150, %add3A_138] : memref<4x64x128xf32, #tpu.memory_space<vmem>>[vector<16xi32>, vector<16xi32>, vector<16xi32>], vector<16xf32>,
    %swap3A_152 = arith.constant 0 : i32
    %swap3A_153 = arith.index_cast %swap3A_152 : i32 to index
    %swap3A_154 = arith.constant 16 : index
    %swap3A_155 = tpu.vector_load %arg5[%swap3A_153, %swap3A_154] {strides = array<i32>} : memref<4x64xf32, #tpu.memory_space<vmem>>, vector<16xf32>,
    tpu.vector_store %arg5[%swap3A_153, %swap3A_154], %gather3A_151 {strides = array<i32>} : memref<4x64xf32, #tpu.memory_space<vmem>>, vector<16xf32>,
    %add3A_156 = arith.constant 32 : i32
    %add3A_157 = vector.broadcast %add3A_156 : i32 to vector<16xi32>
    %add3A_158 = arith.addi %iota3A, %add3A_157 : vector<16xi32>
    %gather3A_159 = tpu.vector_load_idx %arg4[%add3A_141, %add3A_158, %add3A_138] : memref<4x64x128xf32, #tpu.memory_space<vmem>>[vector<16xi32>, vector<16xi32>, vector<16xi32>], vector<16xf32>,
    %swap3A_160 = arith.constant 0 : i32
    %swap3A_161 = arith.index_cast %swap3A_160 : i32 to index
    %swap3A_162 = arith.constant 32 : index
    %swap3A_163 = tpu.vector_load %arg5[%swap3A_161, %swap3A_162] {strides = array<i32>} : memref<4x64xf32, #tpu.memory_space<vmem>>, vector<16xf32>,
    tpu.vector_store %arg5[%swap3A_161, %swap3A_162], %gather3A_159 {strides = array<i32>} : memref<4x64xf32, #tpu.memory_space<vmem>>, vector<16xf32>,
    %add3A_164 = arith.constant 48 : i32
    %add3A_165 = vector.broadcast %add3A_164 : i32 to vector<16xi32>
    %add3A_166 = arith.addi %iota3A, %add3A_165 : vector<16xi32>
    %gather3A_167 = tpu.vector_load_idx %arg4[%add3A_141, %add3A_166, %add3A_138] : memref<4x64x128xf32, #tpu.memory_space<vmem>>[vector<16xi32>, vector<16xi32>, vector<16xi32>], vector<16xf32>,
    %swap3A_168 = arith.constant 0 : i32
    %swap3A_169 = arith.index_cast %swap3A_168 : i32 to index
    %swap3A_170 = arith.constant 48 : index
    %swap3A_171 = tpu.vector_load %arg5[%swap3A_169, %swap3A_170] {strides = array<i32>} : memref<4x64xf32, #tpu.memory_space<vmem>>, vector<16xf32>,
    tpu.vector_store %arg5[%swap3A_169, %swap3A_170], %gather3A_167 {strides = array<i32>} : memref<4x64xf32, #tpu.memory_space<vmem>>, vector<16xf32>,
    %and3A_172 = arith.constant 127 : i32
    %and3A_173 = arith.andi %mul3A_9, %and3A_172 : i32
    %add3A_174 = vector.broadcast %and3A_173 : i32 to vector<16xi32>
    %add3A_175 = arith.addi %broadcast_in_dim3A_134, %add3A_174 : vector<16xi32>
    %add3A_176 = arith.constant 1 : i32
    %add3A_177 = vector.broadcast %add3A_176 : i32 to vector<16xi32>
    %add3A_178 = arith.addi %broadcast_in_dim3A_134, %add3A_177 : vector<16xi32>
    %add3A_179 = arith.constant 0 : i32
    %add3A_180 = vector.broadcast %add3A_179 : i32 to vector<16xi32>
    %add3A_181 = arith.addi %iota3A, %add3A_180 : vector<16xi32>
    %gather3A_182 = tpu.vector_load_idx %arg4[%add3A_178, %add3A_181, %add3A_175] : memref<4x64x128xf32, #tpu.memory_space<vmem>>[vector<16xi32>, vector<16xi32>, vector<16xi32>], vector<16xf32>,
    %swap3A_183 = arith.constant 1 : i32
    %swap3A_184 = arith.index_cast %swap3A_183 : i32 to index
    %swap3A_185 = arith.constant 0 : index
    %swap3A_186 = tpu.vector_load %arg5[%swap3A_184, %swap3A_185] {strides = array<i32>} : memref<4x64xf32, #tpu.memory_space<vmem>>, vector<16xf32>,
    tpu.vector_store %arg5[%swap3A_184, %swap3A_185], %gather3A_182 {strides = array<i32>} : memref<4x64xf32, #tpu.memory_space<vmem>>, vector<16xf32>,
    %add3A_187 = arith.constant 16 : i32
    %add3A_188 = vector.broadcast %add3A_187 : i32 to vector<16xi32>
    %add3A_189 = arith.addi %iota3A, %add3A_188 : vector<16xi32>
    %gather3A_190 = tpu.vector_load_idx %arg4[%add3A_178, %add3A_189, %add3A_175] : memref<4x64x128xf32, #tpu.memory_space<vmem>>[vector<16xi32>, vector<16xi32>, vector<16xi32>], vector<16xf32>,
    %swap3A_191 = arith.constant 1 : i32
    %swap3A_192 = arith.index_cast %swap3A_191 : i32 to index
    %swap3A_193 = arith.constant 16 : index
    %swap3A_194 = tpu.vector_load %arg5[%swap3A_192, %swap3A_193] {strides = array<i32>} : memref<4x64xf32, #tpu.memory_space<vmem>>, vector<16xf32>,
    tpu.vector_store %arg5[%swap3A_192, %swap3A_193], %gather3A_190 {strides = array<i32>} : memref<4x64xf32, #tpu.memory_space<vmem>>, vector<16xf32>,
    %add3A_195 = arith.constant 32 : i32
    %add3A_196 = vector.broadcast %add3A_195 : i32 to vector<16xi32>
    %add3A_197 = arith.addi %iota3A, %add3A_196 : vector<16xi32>
    %gather3A_198 = tpu.vector_load_idx %arg4[%add3A_178, %add3A_197, %add3A_175] : memref<4x64x128xf32, #tpu.memory_space<vmem>>[vector<16xi32>, vector<16xi32>, vector<16xi32>], vector<16xf32>,
    %swap3A_199 = arith.constant 1 : i32
    %swap3A_200 = arith.index_cast %swap3A_199 : i32 to index
    %swap3A_201 = arith.constant 32 : index
    %swap3A_202 = tpu.vector_load %arg5[%swap3A_200, %swap3A_201] {strides = array<i32>} : memref<4x64xf32, #tpu.memory_space<vmem>>, vector<16xf32>,
    tpu.vector_store %arg5[%swap3A_200, %swap3A_201], %gather3A_198 {strides = array<i32>} : memref<4x64xf32, #tpu.memory_space<vmem>>, vector<16xf32>,
    %add3A_203 = arith.constant 48 : i32
    %add3A_204 = vector.broadcast %add3A_203 : i32 to vector<16xi32>
    %add3A_205 = arith.addi %iota3A, %add3A_204 : vector<16xi32>
    %gather3A_206 = tpu.vector_load_idx %arg4[%add3A_178, %add3A_205, %add3A_175] : memref<4x64x128xf32, #tpu.memory_space<vmem>>[vector<16xi32>, vector<16xi32>, vector<16xi32>], vector<16xf32>,
    %swap3A_207 = arith.constant 1 : i32
    %swap3A_208 = arith.index_cast %swap3A_207 : i32 to index
    %swap3A_209 = arith.constant 48 : index
    %swap3A_210 = tpu.vector_load %arg5[%swap3A_208, %swap3A_209] {strides = array<i32>} : memref<4x64xf32, #tpu.memory_space<vmem>>, vector<16xf32>,
    tpu.vector_store %arg5[%swap3A_208, %swap3A_209], %gather3A_206 {strides = array<i32>} : memref<4x64xf32, #tpu.memory_space<vmem>>, vector<16xf32>,
    %and3A_211 = arith.constant 127 : i32
    %and3A_212 = arith.andi %mul3A_15, %and3A_211 : i32
    %add3A_213 = vector.broadcast %and3A_212 : i32 to vector<16xi32>
    %add3A_214 = arith.addi %broadcast_in_dim3A_134, %add3A_213 : vector<16xi32>
    %add3A_215 = arith.constant 2 : i32
    %add3A_216 = vector.broadcast %add3A_215 : i32 to vector<16xi32>
    %add3A_217 = arith.addi %broadcast_in_dim3A_134, %add3A_216 : vector<16xi32>
    %add3A_218 = arith.constant 0 : i32
    %add3A_219 = vector.broadcast %add3A_218 : i32 to vector<16xi32>
    %add3A_220 = arith.addi %iota3A, %add3A_219 : vector<16xi32>
    %gather3A_221 = tpu.vector_load_idx %arg4[%add3A_217, %add3A_220, %add3A_214] : memref<4x64x128xf32, #tpu.memory_space<vmem>>[vector<16xi32>, vector<16xi32>, vector<16xi32>], vector<16xf32>,
    %swap3A_222 = arith.constant 2 : i32
    %swap3A_223 = arith.index_cast %swap3A_222 : i32 to index
    %swap3A_224 = arith.constant 0 : index
    %swap3A_225 = tpu.vector_load %arg5[%swap3A_223, %swap3A_224] {strides = array<i32>} : memref<4x64xf32, #tpu.memory_space<vmem>>, vector<16xf32>,
    tpu.vector_store %arg5[%swap3A_223, %swap3A_224], %gather3A_221 {strides = array<i32>} : memref<4x64xf32, #tpu.memory_space<vmem>>, vector<16xf32>,
    %add3A_226 = arith.constant 16 : i32
    %add3A_227 = vector.broadcast %add3A_226 : i32 to vector<16xi32>
    %add3A_228 = arith.addi %iota3A, %add3A_227 : vector<16xi32>
    %gather3A_229 = tpu.vector_load_idx %arg4[%add3A_217, %add3A_228, %add3A_214] : memref<4x64x128xf32, #tpu.memory_space<vmem>>[vector<16xi32>, vector<16xi32>, vector<16xi32>], vector<16xf32>,
    %swap3A_230 = arith.constant 2 : i32
    %swap3A_231 = arith.index_cast %swap3A_230 : i32 to index
    %swap3A_232 = arith.constant 16 : index
    %swap3A_233 = tpu.vector_load %arg5[%swap3A_231, %swap3A_232] {strides = array<i32>} : memref<4x64xf32, #tpu.memory_space<vmem>>, vector<16xf32>,
    tpu.vector_store %arg5[%swap3A_231, %swap3A_232], %gather3A_229 {strides = array<i32>} : memref<4x64xf32, #tpu.memory_space<vmem>>, vector<16xf32>,
    %add3A_234 = arith.constant 32 : i32
    %add3A_235 = vector.broadcast %add3A_234 : i32 to vector<16xi32>
    %add3A_236 = arith.addi %iota3A, %add3A_235 : vector<16xi32>
    %gather3A_237 = tpu.vector_load_idx %arg4[%add3A_217, %add3A_236, %add3A_214] : memref<4x64x128xf32, #tpu.memory_space<vmem>>[vector<16xi32>, vector<16xi32>, vector<16xi32>], vector<16xf32>,
    %swap3A_238 = arith.constant 2 : i32
    %swap3A_239 = arith.index_cast %swap3A_238 : i32 to index
    %swap3A_240 = arith.constant 32 : index
    %swap3A_241 = tpu.vector_load %arg5[%swap3A_239, %swap3A_240] {strides = array<i32>} : memref<4x64xf32, #tpu.memory_space<vmem>>, vector<16xf32>,
    tpu.vector_store %arg5[%swap3A_239, %swap3A_240], %gather3A_237 {strides = array<i32>} : memref<4x64xf32, #tpu.memory_space<vmem>>, vector<16xf32>,
    %add3A_242 = arith.constant 48 : i32
    %add3A_243 = vector.broadcast %add3A_242 : i32 to vector<16xi32>
    %add3A_244 = arith.addi %iota3A, %add3A_243 : vector<16xi32>
    %gather3A_245 = tpu.vector_load_idx %arg4[%add3A_217, %add3A_244, %add3A_214] : memref<4x64x128xf32, #tpu.memory_space<vmem>>[vector<16xi32>, vector<16xi32>, vector<16xi32>], vector<16xf32>,
    %swap3A_246 = arith.constant 2 : i32
    %swap3A_247 = arith.index_cast %swap3A_246 : i32 to index
    %swap3A_248 = arith.constant 48 : index
    %swap3A_249 = tpu.vector_load %arg5[%swap3A_247, %swap3A_248] {strides = array<i32>} : memref<4x64xf32, #tpu.memory_space<vmem>>, vector<16xf32>,
    tpu.vector_store %arg5[%swap3A_247, %swap3A_248], %gather3A_245 {strides = array<i32>} : memref<4x64xf32, #tpu.memory_space<vmem>>, vector<16xf32>,
    %and3A_250 = arith.constant 127 : i32
    %and3A_251 = arith.andi %mul3A_21, %and3A_250 : i32
    %add3A_252 = vector.broadcast %and3A_251 : i32 to vector<16xi32>
    %add3A_253 = arith.addi %broadcast_in_dim3A_134, %add3A_252 : vector<16xi32>
    %add3A_254 = arith.constant 3 : i32
    %add3A_255 = vector.broadcast %add3A_254 : i32 to vector<16xi32>
    %add3A_256 = arith.addi %broadcast_in_dim3A_134, %add3A_255 : vector<16xi32>
    %add3A_257 = arith.constant 0 : i32
    %add3A_258 = vector.broadcast %add3A_257 : i32 to vector<16xi32>
    %add3A_259 = arith.addi %iota3A, %add3A_258 : vector<16xi32>
    %gather3A_260 = tpu.vector_load_idx %arg4[%add3A_256, %add3A_259, %add3A_253] : memref<4x64x128xf32, #tpu.memory_space<vmem>>[vector<16xi32>, vector<16xi32>, vector<16xi32>], vector<16xf32>,
    %swap3A_261 = arith.constant 3 : i32
    %swap3A_262 = arith.index_cast %swap3A_261 : i32 to index
    %swap3A_263 = arith.constant 0 : index
    %swap3A_264 = tpu.vector_load %arg5[%swap3A_262, %swap3A_263] {strides = array<i32>} : memref<4x64xf32, #tpu.memory_space<vmem>>, vector<16xf32>,
    tpu.vector_store %arg5[%swap3A_262, %swap3A_263], %gather3A_260 {strides = array<i32>} : memref<4x64xf32, #tpu.memory_space<vmem>>, vector<16xf32>,
    %add3A_265 = arith.constant 16 : i32
    %add3A_266 = vector.broadcast %add3A_265 : i32 to vector<16xi32>
    %add3A_267 = arith.addi %iota3A, %add3A_266 : vector<16xi32>
    %gather3A_268 = tpu.vector_load_idx %arg4[%add3A_256, %add3A_267, %add3A_253] : memref<4x64x128xf32, #tpu.memory_space<vmem>>[vector<16xi32>, vector<16xi32>, vector<16xi32>], vector<16xf32>,
    %swap3A_269 = arith.constant 3 : i32
    %swap3A_270 = arith.index_cast %swap3A_269 : i32 to index
    %swap3A_271 = arith.constant 16 : index
    %swap3A_272 = tpu.vector_load %arg5[%swap3A_270, %swap3A_271] {strides = array<i32>} : memref<4x64xf32, #tpu.memory_space<vmem>>, vector<16xf32>,
    tpu.vector_store %arg5[%swap3A_270, %swap3A_271], %gather3A_268 {strides = array<i32>} : memref<4x64xf32, #tpu.memory_space<vmem>>, vector<16xf32>,
    %add3A_273 = arith.constant 32 : i32
    %add3A_274 = vector.broadcast %add3A_273 : i32 to vector<16xi32>
    %add3A_275 = arith.addi %iota3A, %add3A_274 : vector<16xi32>
    %gather3A_276 = tpu.vector_load_idx %arg4[%add3A_256, %add3A_275, %add3A_253] : memref<4x64x128xf32, #tpu.memory_space<vmem>>[vector<16xi32>, vector<16xi32>, vector<16xi32>], vector<16xf32>,
    %swap3A_277 = arith.constant 3 : i32
    %swap3A_278 = arith.index_cast %swap3A_277 : i32 to index
    %swap3A_279 = arith.constant 32 : index
    %swap3A_280 = tpu.vector_load %arg5[%swap3A_278, %swap3A_279] {strides = array<i32>} : memref<4x64xf32, #tpu.memory_space<vmem>>, vector<16xf32>,
    tpu.vector_store %arg5[%swap3A_278, %swap3A_279], %gather3A_276 {strides = array<i32>} : memref<4x64xf32, #tpu.memory_space<vmem>>, vector<16xf32>,
    %add3A_281 = arith.constant 48 : i32
    %add3A_282 = vector.broadcast %add3A_281 : i32 to vector<16xi32>
    %add3A_283 = arith.addi %iota3A, %add3A_282 : vector<16xi32>
    %gather3A_284 = tpu.vector_load_idx %arg4[%add3A_256, %add3A_283, %add3A_253] : memref<4x64x128xf32, #tpu.memory_space<vmem>>[vector<16xi32>, vector<16xi32>, vector<16xi32>], vector<16xf32>,
    %swap3A_285 = arith.constant 3 : i32
    %swap3A_286 = arith.index_cast %swap3A_285 : i32 to index
    %swap3A_287 = arith.constant 48 : index
    %swap3A_288 = tpu.vector_load %arg5[%swap3A_286, %swap3A_287] {strides = array<i32>} : memref<4x64xf32, #tpu.memory_space<vmem>>, vector<16xf32>,
    tpu.vector_store %arg5[%swap3A_286, %swap3A_287], %gather3A_284 {strides = array<i32>} : memref<4x64xf32, #tpu.memory_space<vmem>>, vector<16xf32>,
    %mul3A_289 = arith.constant 4 : i32
    %mul3A_290 = arith.muli %arg1, %mul3A_289 : i32
    "tpu.region"() ({
      %run_scoped3A = tpu.sem_alloc : memref<!tpu.dma_semaphore, #tpu.memory_space<semaphore_mem>>
      %dma_start3A_291 = arith.constant 0 : i32
      %dma_start3A_292 = tpu.memref_slice %arg3[%mul3A_290, %dma_start3A_291] : memref<64x64xf32, #tpu.memory_space<hbm>> -> memref<4x64xf32, #tpu.memory_space<hbm>>
      %dma_start3A_293 = arith.constant 0 : i32
      %dma_start3A_294 = tpu.memref_slice %arg3[%mul3A_290, %dma_start3A_293] : memref<64x64xf32, #tpu.memory_space<hbm>> -> memref<4x64xf32, #tpu.memory_space<hbm>>
      tpu.enqueue_dma source(%arg5 : memref<4x64xf32, #tpu.memory_space<vmem>>) target(%dma_start3A_294 : memref<4x64xf32, #tpu.memory_space<hbm>>) target_semaphore(%run_scoped3A : memref<!tpu.dma_semaphore, #tpu.memory_space<semaphore_mem>>)
      %dma_wait3A_295 = arith.constant 0 : i32
      %dma_wait3A_296 = tpu.memref_slice %arg3[%mul3A_290, %dma_wait3A_295] : memref<64x64xf32, #tpu.memory_space<hbm>> -> memref<4x64xf32, #tpu.memory_space<hbm>>
      %dma_wait3A_297 = arith.constant 0 : i32
      %dma_wait3A_298 = tpu.memref_slice %arg3[%mul3A_290, %dma_wait3A_297] : memref<64x64xf32, #tpu.memory_space<hbm>> -> memref<4x64xf32, #tpu.memory_space<hbm>>
      tpu.wait_dma2 semaphore(%run_scoped3A : memref<!tpu.dma_semaphore, #tpu.memory_space<semaphore_mem>>) src(%arg5 : memref<4x64xf32, #tpu.memory_space<vmem>>) dst(%dma_wait3A_298 : memref<4x64xf32, #tpu.memory_space<hbm>>)
      tpu.yield
    }) : () -> ()
    return
  }
}

</mosaic_0001>

<sc_bundles>
// kernel: kernel.3.cloned.1.call-start
scs
__scs_entry_jumppad:
0x0: {  	(pc) =	sbr.rel $0x88, $3  }
0x1: {  	(tag) =	ssettag $0x0;
	lr =	simm.s32 $0x1  }
0x2: {  	[smem:$0x3FA0] =	sst lr;
	_ =	strace $0xD0000000  }
0x3: {  	_ = 	snop  }
0x4: {  	_ = 	snop  }
0x5: {  	_ = 	snop  }
0x6: {  	_ = 	snop  }
0x7: {  	_ = 	snop  }
__scs_overlays_trampoline_lowered:
0x8: {  	[smem:$0x3FAF] =	sst s0  }
0x9: {  	[smem:$0x3FB0] =	sst s1  }
0xa: {  	[smem:$0x3FB1] =	sst s2  }
0xb: {  	[smem:$0x3FB2] =	sst s3  }
0xc: {  	[smem:$0x3FB3] =	sst s4  }
0xd: {  	[smem:$0x3FB4] =	sst s5  }
0xe: {  	[smem:$0x3FB5] =	sst s6  }
0xf: {  	[smem:$0x3FB6] =	sst s7  }
0x10: {  	[smem:$0x3FB7] =	sst s8  }
0x11: {  	[smem:$0x3FB8] =	sst s9;
	s0 =	simm.s32 @!p0 $0x0  }
0x12: {  	s1 =	sld [smem:$0x3F9E];
	s0 =	simm.s32 @p0 $0x1  }
0x13: {  	[smem:$0x3FB9] =	sst s0;
	s0 =	simm.s32 @!p1 $0x0  }
0x14: {  	s2 =	sld [smem:$0x3F9D];
	s0 =	simm.s32 @p1 $0x1  }
0x15: {  	[smem:$0x3FBA] =	sst s0;
	s0 =	simm.s32 @!p2 $0x0  }
0x16: {  	s3 =	sld [smem:$0x3FDB];
	s0 =	simm.s32 @p2 $0x1  }
0x17: {  	s4 =	simm.s32 $0x1BF5;
	[smem:$0x3FBC] =	sst s0  }
0x18: {  	s0 =	sld [smem:$0x3F9F];
	_ =	swait.ge [sflag:s4], $0x0  }
0x19: {  	s7 =	sld [smem:$0x3FA0]  }
0x1a: {  	s8 =	sadd.s32 $0xFFFFE003, lr  }
0x1b: {  	s9 =	sadd.s32 $0xFFFFFEF7, lr;
	s5 =	simm.s32 $0xFFFFFFFF;
	p2 =	slt.u32 s8, $0xFFFFF086  }
0x1c: {  	p1 =	slt.u32 s9, $0xF7A;
	s5 =	simm.s32 @!p2 $0x0  }
0x1d: {  	s5 =	simm.s32 @p1 $0x1;
	p0 =	seq.s32 s7, s2  }
0x1e: {  	s7 =	smul.u32 @!p0 $0xF7A, s2;
	p2 =	seq.s32 @!p0 s5, $0x0  }
0x1f: {  	s9 =	smul.u32 $0xF7A, s1;
	s8 =	simm.s32 @!p0 $0x1BF5;
	p2 =	por !p2, p0  }
0x20: {  	[sflag:s8] =	ssyncset.s32 @!p0 $0xFFFFF086;
	s6 =	sadd.s32 @!p0 s3, s7;
	s7 =	simm.s32 @!p0 $0x108  }
0x21: {  	s3 =	sadd.s32 s3, s9;
	s6 =	sadd.s32 @!p0 $0x88, s6;
	s7 =	simm.s32 @p2 $0x1082  }
0x22: {  	[simem:s7], [sflag:s8] =	dma.local @!p0 [hbm:s6], $0xF7A  }
0x23: {  	s9 =	sor.u32 $0xD0000000, s2;
	s6 =	simm.s32 $0x108;
	_ =	swait.ge @!p0 [sflag:s8], $0x0  }
0x24: {  	s3 =	sadd.s32 $0x88, s3;
	s6 =	simm.s32 @!p1 $0x1082;
	[sflag:s4] =	ssyncset.s32 $0xFFFFF086  }
0x25: {  	[simem:s6], [sflag:s4] =	dma.local [hbm:s3], $0xF7A  }
0x26: {  	[smem:$0x3FA0] =	sst s1;
	(tag) =	ssettag s2;
	_ =	strace s9  }
0x27: {  	s1 =	sld [smem:$0x3FB0]  }
0x28: {  	s2 =	sld [smem:$0x3FB1]  }
0x29: {  	s4 =	sld [smem:$0x3FB3]  }
0x2a: {  	p0 =	seq.s32 s5, $0x0;
	s5 =	sld [smem:$0x3FB4]  }
0x2b: {  	s6 =	sld [smem:$0x3FB5]  }
0x2c: {  	s7 =	sld [smem:$0x3FB6]  }
0x2d: {  	s3 =	simm.s32 $0x108;
	s8 =	sld [smem:$0x3FB7]  }
0x2e: {  	s3 =	simm.s32 @!p0 $0x1082;
	s9 =	sld [smem:$0x3FB8]  }
0x2f: {  	lr =	sadd.s32 s0, s3;
	s0 =	sld [smem:$0x3FAF]  }
0x30: {  	s3 =	sld [smem:$0x3FB2]  }
0x31: {  	[smem:$0x3FBB] =	sst s10  }
0x32: {  	s10 =	sld [smem:$0x3FB9];
	_ =	sdelay $0x3  }
0x33: {  	p0 =	seq.s32 s10, $0x1;
	s10 =	sld [smem:$0x3FBB];
	_ =	sdelay $0x3  }
0x34: {  	[smem:$0x3FBB] =	sst s10  }
0x35: {  	s10 =	sld [smem:$0x3FBA];
	_ =	sdelay $0x3  }
0x36: {  	p1 =	seq.s32 s10, $0x1;
	s10 =	sld [smem:$0x3FBB];
	_ =	sdelay $0x3  }
0x37: {  	[smem:$0x3FBB] =	sst s10  }
0x38: {  	s10 =	sld [smem:$0x3FBC]  }
0x39: {  	_ = 	snop;
	(pc) =	sbr.ind lr, $3  }
0x3a: {  	_ = 	snop  }
0x3b: {  	_ = 	snop  }
0x3c: {  	p2 =	seq.s32 s10, $0x1;
	s10 =	sld [smem:$0x3FBB]  }
0x3d: {  	_ =	shalt  }
0x3e: {  	_ =	shalt  }
0x3f: {  	_ =	shalt  }
0x40: {  	_ =	shalt  }
0x41: {  	_ =	shalt  }
0x42: {  	_ =	shalt  }
0x43: {  	_ =	shalt  }
0x44: {  	_ =	shalt  }
0x45: {  	_ =	shalt  }
0x46: {  	_ =	shalt  }
0x47: {  	_ =	shalt  }
0x48: {  	_ =	shalt  }
0x49: {  	_ =	shalt  }
0x4a: {  	_ =	shalt  }
0x4b: {  	_ =	shalt  }
0x4c: {  	_ =	shalt  }
0x4d: {  	_ =	shalt  }
0x4e: {  	_ =	shalt  }
0x4f: {  	_ =	shalt  }
0x50: {  	_ =	shalt  }
0x51: {  	_ =	shalt  }
0x52: {  	_ =	shalt  }
0x53: {  	_ =	shalt  }
0x54: {  	_ =	shalt  }
0x55: {  	_ =	shalt  }
0x56: {  	_ =	shalt  }
0x57: {  	_ =	shalt  }
0x58: {  	_ =	shalt  }
0x59: {  	_ =	shalt  }
0x5a: {  	_ =	shalt  }
0x5b: {  	_ =	shalt  }
0x5c: {  	_ =	shalt  }
0x5d: {  	_ =	shalt  }
0x5e: {  	_ =	shalt  }
0x5f: {  	_ =	shalt  }
0x60: {  	_ =	shalt  }
0x61: {  	_ =	shalt  }
0x62: {  	_ =	shalt  }
0x63: {  	_ =	shalt  }
0x64: {  	_ =	shalt  }
0x65: {  	_ =	shalt  }
0x66: {  	_ =	shalt  }
0x67: {  	_ =	shalt  }
0x68: {  	_ =	shalt  }
0x69: {  	_ =	shalt  }
0x6a: {  	_ =	shalt  }
0x6b: {  	_ =	shalt  }
0x6c: {  	_ =	shalt  }
0x6d: {  	_ =	shalt  }
0x6e: {  	_ =	shalt  }
0x6f: {  	_ =	shalt  }
0x70: {  	_ =	shalt  }
0x71: {  	_ =	shalt  }
0x72: {  	_ =	shalt  }
0x73: {  	_ =	shalt  }
0x74: {  	_ =	shalt  }
0x75: {  	_ =	shalt  }
0x76: {  	_ =	shalt  }
0x77: {  	_ =	shalt  }
0x78: {  	_ =	shalt  }
0x79: {  	_ =	shalt  }
0x7a: {  	_ =	shalt  }
0x7b: {  	_ =	shalt  }
0x7c: {  	_ =	shalt  }
0x7d: {  	_ =	shalt  }
0x7e: {  	_ =	shalt  }
0x7f: {  	_ =	shalt  }
0x80: {  	_ =	shalt  }
0x81: {  	_ =	shalt  }
0x82: {  	_ =	shalt  }
0x83: {  	_ =	shalt  }
0x84: {  	_ =	shalt  }
0x85: {  	_ =	shalt  }
0x86: {  	_ =	shalt  }
0x87: {  	_ =	shalt  }
.Lfunc_end0:
.L_simem_size_0:
called_computation_lowered:
.L_overlay_start_0:
0x88: {  	s0 =	sld [smem:$0x3FD9]  }
0x89: {  	s1 =	sld [smem:$0x3FFE];
	_ =	sdelay $0x3  }
0x8a: {  	s0 =	sadd.s32 s1, s0  }
0x8b: {  	[smem:$0x3FC7] =	sst s0  }
0x8c: {  	_ = 	snop  }
0x8d: {  	s0 =	sld [smem:$0x3FC9]  }
0x8e: {  	s17 =	sld [smem:$0x3FD0];
	(tm) =	ssettm $0x1  }
0x8f: {  	s2 =	sld [smem:$0x3FFB];
	_ =	sdelay $0x3  }
0x90: {  	_ =	strace s2  }
0x91: {  	s2 =	sld [smem:$0x3FFC];
	_ =	sdelay $0x3  }
0x92: {  	_ =	strace s2  }
0x93: {  	s2 =	sld [smem:$0x3FFD];
	_ =	sdelay $0x3  }
0x94: {  	_ =	strace s2  }
0x95: {  	_ =	strace $0x8FFFFFFF  }
0x96: {  	s18 =	sld [smem:$0x3FDB];
	_ =	sdelay $0x1  }
0x97: {  	s3 =	simm.s32 $_scs_section_size  }
0x98: {  	s4 =	simm.s32 $_size__tile_overlayer_lowered;
	s5 =	simm.s32 $_tile_overlayer_lowered  }
0x99: {  	s21 =	simm.s32 $0x1BFF;
	s20 =	sshll.u32 s5, $0x1;
	s2 =	sadd.s32 s3, s18  }
0x9a: {  	s6 =	simm.s32 $0x0;
	s19 =	sshll.u32 s4, $0x1;
	s4 =	sadd.s32 s20, s2  }
0x9b: {  	[timem:s6], [sflag:s21] =	dma.local [hbm:s4], s19  }
0x9c: {  	_ =	swait.ge [sflag:s21], s19  }
0x9d: {  	s3 =	ssub.s32 $0x0, s19;
	[sflag:s21] =	ssyncset.done $0x0  }
0x9e: {  	[sflag:s21] =	ssyncadd.s32 s3;
	_ =	sdelay $0x1  }
0x9f: {  	s22 =	simm.s32 $0x1B8B  }
0xa0: {  	_ =	swait.ge [sflag:s22], $0x1  }
0xa1: {  	[sflag:s22] =	ssyncset.done $0x0  }
0xa2: {  	s23 =	simm.s32 $0x1B8E;
	[sflag:s22] =	ssyncadd.s32 $0xFFFFFFFF  }
0xa3: {  	s24 =	simm.s32 $execute0_lowered;
	[smem:$0x3FD2] =	sst s23  }
0xa4: {  	s3 =	sshll.u32 s24, $0x1;
	_ =	strace $0x80000046;
	[dreg:$0x1] =	wrdreg $0xFFFFFFFF  }
0xa5: {  	s25 =	simm.s32 $_size_execute0_lowered;
	s2 =	sadd.s32 s2, s3;
	[dreg:$0x0] =	wrdreg $0x0  }
0xa6: {  	s3 =	sshll.u32 s25, $0x1;
	[dreg:$0x2] =	wrdreg s2  }
0xa7: {  	[dreg:$0x3] =	wrdreg s3  }
0xa8: {  	[dreg:$0x4] =	wrdreg $0xC0  }
0xa9: {  	_ =	task [dreg:s6], $0x5FFFF  }
0xaa: {  	[dreg:$0x1] =	wrdreg $0xFFFFFFFF  }
0xab: {  	[dreg:$0x0] =	wrdreg $0x60  }
0xac: {  	[dreg:$0x2] =	wrdreg s0  }
0xad: {  	[dreg:$0x3] =	wrdreg s17  }
0xae: {  	[dreg:$0x4] =	wrdreg $0x9  }
0xaf: {  	_ =	task.clear_ibuf [dreg:s6], $0x5FFFF;
	_ =	strace $0x90000046  }
0xb0: {  	s26 =	simm.s32 $0x9;
	_ =	strace $0x80000048  }
0xb1: {  	_ =	swait.ge [sflag:s26], $0x1  }
0xb2: {  	[sflag:s26] =	ssyncadd.s32 $0xFFFFFFFF  }
0xb3: {  	_ =	strace $0x90000048  }
0xb4: {  	_ =	sfence  }
0xb5: {  	s28 =	sld [smem:$0x0];
	_ =	sdelay $0x1  }
0xb6: {  	s29 =	srdreg.scid  }
0xb7: {  	s30 =	sshll.u32 s29, $0xD;
	s31 =	sshrl.u32 s29, $0x2  }
0xb8: {  	s1 =	sand.u32 $0x1, s29;
	s2 =	sand.u32 $0x4000, s30;
	s0 =	sadd.s32 s31, s28  }
0xb9: {  	s1 =	sor.u32 s2, s1;
	s0 =	sshll.u32 s0, $0x11  }
0xba: {  	s0 =	sor.u32 s0, s1  }
0xbb: {  	s0 =	sadd.s32 $0x8F2B, s0  }
0xbc: {  	[sflag:s0] =	ssyncadd.remote.s32 $0x1  }
0xbd: {  	_ =	sfence.sel $0xFFFF  }
0xbe: {  	[dreg:$0x0] =	wrdreg $0xFFFFFFFF;
	(pc) =	sbr.abs _section_cstart, $3  }
0xbf: {  	[dreg:$0x1] =	wrdreg $0xFFFFFFFF  }
0xc0: {  	_ =	task.clear_ibuf [dreg:s6], $0x2FFFF;
	_ =	strace $0x9FFFFFFF  }
0xc1: {  	(tm) =	ssettm $0x7FFFFFFF  }
tec
execute0_lowered:
.L_overlay_start_1:
0x0: {  	(tag) =	ssettag $0x1  }
0x1: {  	s6 =	rddreg [dreg:$0x0]  }
0x2: {  	s2 =	rddreg [dreg:$0x1]  }
0x3: {  	s1 =	stileid.u32;
	s0 =	rddreg [dreg:$0x2]  }
0x4: {  	s3 =	simm.s32 $0x0;
	s10 =	simm.s32 $0x400;
	s4 =	smul.u32 $0x7984, s1  }
0x5: {  	s11 =	simm.s32 $0x7A1400;
	s12 =	simm.s32 $0x2000;
	[smem:$0x7FF] =	sst s3  }
0x6: {  	_ =	strace $0x80000047;
	s7 =	sadd.s32 $0x1E61, s4;
	s8 =	sand.u32 $0x7FF80, s4  }
0x7: {  	s5 =	sadd.s32 $0x3CC2, s4;
	s8 =	sadd.s32 s6, s8;
	s9 =	sand.u32 $0xFFF80, s7  }
0x8: {  	[tilespmem:s3], [sflag:$0x1] =	stream.strided.gather [hbm4b:s8+s10], $0x2000, s11, s10, $0x38;
	[tilespmem:$0x8200] =	vst v63  }
0x9: {  	s4 =	sadd.s32 $0x5B23, s4;
	s20 =	sand.u32 $0xFFF80, s5;
	s19 =	sadd.s32 s6, s9  }
0xa: {  	[tilespmem:s12], [sflag:$0x1] =	stream.strided.gather [hbm4b:s19+s10], $0x2000, s11, s10, $0x38;
	[tilespmem:$0x8200] =	vst v63  }
0xb: {  	s23 =	simm.s32 $0x4000;
	s22 =	sand.u32 $0xFFF80, s4;
	s21 =	sadd.s32 s6, s20  }
0xc: {  	[tilespmem:s23], [sflag:$0x1] =	stream.strided.gather [hbm4b:s21+s10], $0x2000, s11, s10, $0x38;
	[tilespmem:$0x8200] =	vst v63  }
0xd: {  	s24 =	simm.s32 $0x6000;
	s25 =	simm.s32 $0x1;
	s6 =	sadd.s32 s6, s22  }
0xe: {  	[tilespmem:s24], [sflag:$0x1] =	stream.strided.gather [hbm4b:s6+s10], $0x2000, s11, s10, $0x38;
	[tilespmem:$0x8200] =	vst v63  }
0xf: {  	_ =	swait.ge [sflag:s25], $0x2000  }
0x10: {  	[sflag:s25] =	ssyncset.done $0x0  }
0x11: {  	[sflag:s25] =	ssyncadd.s32 $0xFFFFE000  }
0x12: {  	_ =	swait.ge [sflag:s25], $0x2000  }
0x13: {  	v0 =	vlaneseq.u32;
	[sflag:s25] =	ssyncset.done $0x0  }
0x14: {  	v0 =	vmul.u32 $0x80, v0;
	[sflag:s25] =	ssyncadd.s32 $0xFFFFE000  }
0x15: {  	s26 =	sshll.u32 s1, $0x2;
	_ =	swait.ge [sflag:s25], $0x2000  }
0x16: {  	v1 =	vor.u32 s26, v0;
	[sflag:s25] =	ssyncset.done $0x0  }
0x17: {  	[sflag:s25] =	ssyncadd.s32 $0xFFFFE000  }
0x18: {  	_ =	swait.ge [sflag:s25], $0x2000  }
0x19: {  	[sflag:s25] =	ssyncset.done $0x0  }
0x1a: {  	[sflag:s25] =	ssyncadd.s32 $0xFFFFE000  }
0x1b: {  	v2 =	vor.u32 $0x800, v0;
	v1 =	vld.idx.msk [tilespmem:v1+s3+$0x0], $0xffff  }
0x1c: {  	v2 =	vor.u32 s26, v2;
	_ =	sdelay $0x3  }
0x1d: {  	[tilespmem:$0x8000] =	vst v1  }
0x1e: {  	v51 =	vor.u32 $0x1000, v0;
	v2 =	vld.idx.msk [tilespmem:v2+s3+$0x0], $0xffff  }
0x1f: {  	v1 =	vor.u32 s26, v51;
	_ =	sdelay $0x3  }
0x20: {  	[tilespmem:$0x8010] =	vst v2  }
0x21: {  	v52 =	vor.u32 $0x1800, v0;
	v1 =	vld.idx.msk [tilespmem:v1+s3+$0x0], $0xffff  }
0x22: {  	v2 =	vor.u32 s26, v52;
	_ =	sdelay $0x3  }
0x23: {  	[tilespmem:$0x8020] =	vst v1  }
0x24: {  	v53 =	vor.u32 $0x2000, v0;
	s28 =	sand.u32 $0x7D, s7;
	v2 =	vld.idx.msk [tilespmem:v2+s3+$0x0], $0xffff  }
0x25: {  	v1 =	vor.u32 s28, v53;
	_ =	sdelay $0x3  }
0x26: {  	[tilespmem:$0x8030] =	vst v2  }
0x27: {  	v54 =	vor.u32 $0x2800, v0;
	v1 =	vld.idx.msk [tilespmem:v1+s3+$0x0], $0xffff  }
0x28: {  	v2 =	vor.u32 s28, v54;
	_ =	sdelay $0x3  }
0x29: {  	[tilespmem:$0x8080] =	vst v1  }
0x2a: {  	v55 =	vor.u32 $0x3000, v0;
	v2 =	vld.idx.msk [tilespmem:v2+s3+$0x0], $0xffff  }
0x2b: {  	v1 =	vor.u32 s28, v55;
	_ =	sdelay $0x3  }
0x2c: {  	[tilespmem:$0x8090] =	vst v2  }
0x2d: {  	v56 =	vor.u32 $0x3800, v0;
	v1 =	vld.idx.msk [tilespmem:v1+s3+$0x0], $0xffff  }
0x2e: {  	v2 =	vor.u32 s28, v56;
	_ =	sdelay $0x3  }
0x2f: {  	[tilespmem:$0x80A0] =	vst v1  }
0x30: {  	v57 =	vor.u32 $0x4000, v0;
	s5 =	sand.u32 $0x7E, s5;
	v2 =	vld.idx.msk [tilespmem:v2+s3+$0x0], $0xffff  }
0x31: {  	v1 =	vor.u32 s5, v57;
	_ =	sdelay $0x3  }
0x32: {  	[tilespmem:$0x80B0] =	vst v2  }
0x33: {  	v58 =	vor.u32 $0x4800, v0;
	v1 =	vld.idx.msk [tilespmem:v1+s3+$0x0], $0xffff  }
0x34: {  	v2 =	vor.u32 s5, v58;
	_ =	sdelay $0x3  }
0x35: {  	[tilespmem:$0x8100] =	vst v1  }
0x36: {  	v59 =	vor.u32 $0x5000, v0;
	v2 =	vld.idx.msk [tilespmem:v2+s3+$0x0], $0xffff  }
0x37: {  	v1 =	vor.u32 s5, v59;
	_ =	sdelay $0x3  }
0x38: {  	[tilespmem:$0x8110] =	vst v2  }
0x39: {  	v60 =	vor.u32 $0x5800, v0;
	v1 =	vld.idx.msk [tilespmem:v1+s3+$0x0], $0xffff  }
0x3a: {  	v2 =	vor.u32 s5, v60;
	_ =	sdelay $0x3  }
0x3b: {  	[tilespmem:$0x8120] =	vst v1  }
0x3c: {  	v61 =	vor.u32 $0x6000, v0;
	s4 =	sand.u32 $0x7F, s4;
	v2 =	vld.idx.msk [tilespmem:v2+s3+$0x0], $0xffff  }
0x3d: {  	v1 =	vor.u32 s4, v61;
	_ =	sdelay $0x3  }
0x3e: {  	[tilespmem:$0x8130] =	vst v2  }
0x3f: {  	v62 =	vor.u32 $0x6800, v0;
	v1 =	vld.idx.msk [tilespmem:v1+s3+$0x0], $0xffff  }
0x40: {  	v2 =	vor.u32 s4, v62;
	_ =	sdelay $0x3  }
0x41: {  	[tilespmem:$0x8180] =	vst v1  }
0x42: {  	v63 =	vor.u32 $0x7000, v0;
	v2 =	vld.idx.msk [tilespmem:v2+s3+$0x0], $0xffff  }
0x43: {  	v1 =	vor.u32 s4, v63;
	_ =	sdelay $0x3  }
0x44: {  	[tilespmem:$0x8190] =	vst v2  }
0x45: {  	v0 =	vor.u32 $0x7800, v0;
	v1 =	vld.idx.msk [tilespmem:v1+s3+$0x0], $0xffff  }
0x46: {  	v0 =	vor.u32 s4, v0;
	_ =	sdelay $0x3  }
0x47: {  	[tilespmem:$0x81A0] =	vst v1  }
0x48: {  	v0 =	vld.idx.msk [tilespmem:v0+s3+$0x0], $0xffff;
	_ =	sdelay $0x3  }
0x49: {  	s29 =	sshll.u32 s1, $0x6  }
0x4a: {  	s30 =	simm.s32 $0x8000;
	s31 =	simm.s32 $0x2;
	s2 =	sadd.s32 s2, s29;
	[tilespmem:$0x81B0] =	vst v0  }
0x4b: {  	[hbm4b:s2+s3] =	stream.linear.scatter [tilespmem:s30], [sflag:$0x2], $0x200, $0x38;
	[tilespmem:$0x8200] =	vst v63  }
0x4c: {  	_ =	swait.ge [sflag:s31], $0x200  }
0x4d: {  	[sflag:s31] =	ssyncset.done $0x0  }
0x4e: {  	[sflag:s31] =	ssyncadd.s32 $0xFFFFFE00  }
0x4f: {  	_ =	sfence.sel $0x180000  }
0x50: {  	[bflag:$0x0] =	sbarrier.arrive $0xFFFF  }
0x51: {  	p0 =	sne.s32 s1, $0x0;
	_ =	strace $0x90000047  }
0x52: {  	s0 =	sadd.s32 @!p0 $0x100000, s0;
	[bflag:$0x2] =	sbarrier.arrive $0xFFFF  }
0x53: {  	[sflag:s0] =	ssyncadd.tile.s32 @!p0 $0x1;
	_ =	shalt  }
.Lfunc_end2:
_tile_overlayer_lowered:
.L_overlay_start_2:
0x54: {  	(tag) =	ssettag $0x2  }
0x55: {  	s0 =	rddreg [dreg:$0x0];
	s2 =	stileid.u32  }
0x56: {  	s1 =	rddreg [dreg:$0x1];
	p0 =	sne.s32 s2, $0x0  }
0x57: {  	s3 =	rddreg [dreg:$0x2];
	[bflag:$0x3] =	sbarrier.arrive $0xFFFF;
	s2 =	simm.s32 @!p0 $0x1C02  }
0x58: {  	[timem:s3], [sflag:s2] =	dma.local @!p0 [hbm:s0], s1  }
0x59: {  	s0 =	simm.s32 @!p0 $0x2  }
0x5a: {  	_ =	swait.ge @!p0 [sflag:s0], s1  }
0x5b: {  	s1 =	ssub.s32 @!p0 $0x0, s1;
	[sflag:s0] =	ssyncset.done @!p0 $0x0  }
0x5c: {  	[sflag:s0] =	ssyncadd.s32 @!p0 s1  }
0x5d: {  	[bflag:$0x3] =	sbarrier.arrive $0xFFFF  }
0x5e: {  	_ =	shalt  }

</sc_bundles>
